<compile_context>
chip_gen: v7x
topology: tpu7x:2x2x1
jax: 0.10.2.dev20260603
libtpu: 0.0.44.dev20260713+nightly
codegen_flags: <defaults>
</compile_context>

<pallas_src>
import functools

import jax
import jax.numpy as jnp
from jax import lax
from jax.experimental import pallas as pl
from jax.experimental.pallas import tpu as pltpu
from jax.experimental.pallas import tpu_sc as plsc

_B = 16384
_D = 16
_PKW = 128

_NC = 2
_NS = 16
_NW = _NC * _NS
_BPW = _B // _NW
_CH = 256
_NCHUNK = _BPW // _CH


def _sc_gather(upk, ipk, uhi, ihi):
    mesh = plsc.VectorSubcoreMesh(core_axis_name="c", subcore_axis_name="s")

    @functools.partial(
        pl.kernel,
        mesh=mesh,
        out_type=(
            jax.ShapeDtypeStruct((_B, _PKW), jnp.int32),
            jax.ShapeDtypeStruct((_B, _PKW), jnp.int32),
        ),
        scratch_types=[
            pltpu.VMEM((_BPW,), jnp.int32),
            pltpu.VMEM((_BPW,), jnp.int32),
            pltpu.VMEM((_CH, _PKW), jnp.int32),
            pltpu.VMEM((_CH, _PKW), jnp.int32),
            pltpu.SemaphoreType.DMA,
            pltpu.SemaphoreType.DMA,
        ],
    )
    def k(ut, it, ui, ii, uo, io,
          uiv, iiv, urv, irv, s0, s1):
        uw = ut.bitcast(jnp.int32)
        iw = it.bitcast(jnp.int32)
        wid = lax.axis_index("s") * _NC + lax.axis_index("c")
        base = wid * _BPW
        sl = pl.ds(base, _BPW)
        pltpu.sync_copy(ui.at[sl], uiv)
        pltpu.sync_copy(ii.at[sl], iiv)

        @pl.loop(0, _NCHUNK)
        def _(c):
            off = c * _CH
            isl = pl.ds(off, _CH)
            osl = pl.ds(base + off, _CH)
            c0 = pltpu.async_copy(uw.at[uiv.at[isl]], urv, s0)
            c1 = pltpu.async_copy(iw.at[iiv.at[isl]], irv, s1)
            c0.wait()
            c1.wait()
            pltpu.sync_copy(urv, uo.at[osl])
            pltpu.sync_copy(irv, io.at[osl])

    return k(upk, ipk, uhi, ihi)


_BLK = 2048


def _dense_body(pu_ref, pi_ref, uid_ref, iid_ref, cid_ref,
                aid_ref, gid_ref, p_ref, agetab_ref, gentab_ref, cattab_ref,
                uwe_ref, uw1b_ref, uw1c_ref, ub1_ref, uw2_ref, ub2_ref,
                iwe_ref, cw1b_ref, iw1c_ref, ib1_ref,
                iw2_ref, ib2_ref, o_ref):
    dot = lambda a, b: jnp.dot(a, b, preferred_element_type=jnp.float32)
    n = pu_ref.shape[0]
    embl = lax.broadcasted_iota(jnp.int32, (n, _PKW), 1) >> 4

    def tower_in(p_ref, id_ref, we_ref):
        w = p_ref[...]
        low = lax.bitcast_convert_type(w << 16, jnp.float32)
        high = lax.bitcast_convert_type(w & jnp.int32(-65536), jnp.float32)
        lo = id_ref[...] & 15
        m = jnp.where(embl == (lo & 7), jnp.where(lo < 8, low, high), 0.0)
        return dot(m, we_ref[...])

    cu = tower_in(pu_ref, uid_ref, uwe_ref)
    ci = tower_in(pi_ref, iid_ref, iwe_ref)

    catw = dot(cattab_ref[...], cw1b_ref[...])
    oh_c = (cid_ref[...] == lax.broadcasted_iota(jnp.int32, (n, 1024), 1))
    cc = dot(oh_c.astype(jnp.float32), catw)

    oh_a = (aid_ref[...] == lax.broadcasted_iota(jnp.int32, (n, 128), 1))
    ae = dot(oh_a.astype(jnp.float32), agetab_ref[...])
    oh_g = (gid_ref[...] == lax.broadcasted_iota(jnp.int32, (n, 8), 1))
    ge = dot(oh_g.astype(jnp.float32), gentab_ref[...])

    h = jnp.maximum(
        cu + dot(ae, uw1b_ref[...]) + dot(ge, uw1c_ref[...]) + ub1_ref[...],
        0.0)
    uv = dot(h, uw2_ref[...]) + ub2_ref[...]

    h2 = jnp.maximum(
        ci + cc + p_ref[...] * (1.0 / 1000.0) * iw1c_ref[...] + ib1_ref[...],
        0.0)
    iv = dot(h2, iw2_ref[...]) + ib2_ref[...]

    num = jnp.sum(uv * iv, axis=1, keepdims=True)
    du = jnp.maximum(jnp.sqrt(jnp.sum(uv * uv, axis=1, keepdims=True)), 1e-12)
    di = jnp.maximum(jnp.sqrt(jnp.sum(iv * iv, axis=1, keepdims=True)), 1e-12)
    o_ref[...] = num / (du * di)


def _dense(pu, pi, uid2, iid2, cid2, aid, gid, price, agetab, gentab, cattab,
           uwe, uW1b, uW1c, ub1, uW2, ub2,
           iwe, cW1b, iW1c, ib1, iW2, ib2):
    full = lambda shape: pl.BlockSpec(shape, lambda i: (0, 0))
    rowpk = lambda: pl.BlockSpec((_BLK, _PKW), lambda i: (i, 0))
    col1 = lambda: pl.BlockSpec((_BLK, 1), lambda i: (i, 0))
    return pl.pallas_call(
        _dense_body,
        grid=(_B // _BLK,),
        in_specs=[
            rowpk(), rowpk(),
            col1(), col1(), col1(), col1(), col1(), col1(),
            full((128, _D)),
            full((8, _D)),
            full((1024, _D)),
            full((_PKW, _D)),
            full((_D, _D)),
            full((_D, _D)),
            full((1, _D)),
            full((_D, _D)),
            full((1, _D)),
            full((_PKW, _D)),
            full((_D, _D)),
            full((1, _D)),
            full((1, _D)),
            full((_D, _D)),
            full((1, _D)),
        ],
        out_specs=pl.BlockSpec((_BLK, 1), lambda i: (i, 0)),
        out_shape=jax.ShapeDtypeStruct((_B, 1), jnp.float32),
    )(pu, pi, uid2, iid2, cid2, aid, gid, price, agetab, gentab, cattab,
      uwe, uW1b, uW1c, ub1, uW2, ub2,
      iwe, cW1b, iW1c, ib1, iW2, ib2)


def _rep8(w16):
    return jnp.tile(w16, (8, 1))


def kernel(user_id, age, gender, item_id, category, price,
           user_table, age_table, gender_table, item_table, cat_table,
           uW1, ub1, uW2, ub2, iW1, ib1, iW2, ib2):
    uid = user_id[:, 0].astype(jnp.int32)
    iid = item_id[:, 0].astype(jnp.int32)
    cid = category[:, 0].astype(jnp.int32)

    upk = user_table.astype(jnp.bfloat16).reshape(-1, 128)
    ipk = item_table.astype(jnp.bfloat16).reshape(-1, 128)

    pu, pi = _sc_gather(upk, ipk, uid >> 4, iid >> 4)

    agetab = jnp.pad(age_table, ((0, 28), (0, 8)))
    gentab = jnp.pad(gender_table, ((0, 5), (0, 12)))
    cattab = jnp.pad(cat_table, ((0, 24), (0, 8)))

    z8 = jnp.zeros((8, _D), jnp.float32)
    z12 = jnp.zeros((12, _D), jnp.float32)
    uwe = _rep8(uW1[0:16])
    iwe = _rep8(iW1[0:16])
    uW1b = jnp.concatenate([uW1[16:24], z8], axis=0)
    uW1c = jnp.concatenate([uW1[24:28], z12], axis=0)
    cW1b = jnp.concatenate([iW1[16:24], z8], axis=0)
    iW1c = iW1[24:25]

    logit = _dense(pu, pi,
                   user_id.astype(jnp.int32), item_id.astype(jnp.int32),
                   category.astype(jnp.int32),
                   age.astype(jnp.int32), gender.astype(jnp.int32), price,
                   agetab, gentab, cattab,
                   uwe, uW1b, uW1c, ub1.reshape(1, _D), uW2, ub2.reshape(1, _D),
                   iwe, cW1b, iW1c, ib1.reshape(1, _D), iW2, ib2.reshape(1, _D))
    return logit[:, 0]

# --- scband reference (transcript-rebuilt; emitter-appended) ---
"""Pipeline reference for scband-coarse-ranking-model-two-tower-76570676953466 (READ-ONLY COPY).

The authoritative reference and input builder live on the scoring server;
editing this copy changes nothing except your own understanding.
"""

import jax, jax.numpy as jnp
import numpy as np

B = 16384
D = 16
NUM_USERS = 1000000
NUM_ITEMS = 1000000
NUM_AGES = 100
NUM_GENDERS = 3
NUM_CATS = 1000
USER_IN = D + D // 2 + D // 4  # 28
ITEM_IN = D + D // 2 + 1      # 25


def setup_inputs(seed: int = 0) -> dict:
    key = jax.random.key(seed)
    ks = jax.random.split(key, 20)
    inp = {}
    inp["user_id"] = jax.random.randint(ks[0], (B, 1), 0, NUM_USERS, dtype=jnp.int64 if jax.config.jax_enable_x64 else jnp.int32)
    inp["age"] = jax.random.randint(ks[1], (B, 1), 0, NUM_AGES)
    inp["gender"] = jax.random.randint(ks[2], (B, 1), 0, NUM_GENDERS)
    inp["item_id"] = jax.random.randint(ks[3], (B, 1), 0, NUM_ITEMS)
    inp["category"] = jax.random.randint(ks[4], (B, 1), 0, NUM_CATS)
    inp["price"] = jax.random.uniform(ks[5], (B, 1), dtype=jnp.float32) * 1000.0
    # learned parameters
    inp["user_table"] = jax.random.normal(ks[6], (NUM_USERS, D), dtype=jnp.float32) * 0.02
    inp["age_table"] = jax.random.normal(ks[7], (NUM_AGES, D // 2), dtype=jnp.float32) * 0.02
    inp["gender_table"] = jax.random.normal(ks[8], (NUM_GENDERS, D // 4), dtype=jnp.float32) * 0.02
    inp["item_table"] = jax.random.normal(ks[9], (NUM_ITEMS, D), dtype=jnp.float32) * 0.02
    inp["cat_table"] = jax.random.normal(ks[10], (NUM_CATS, D // 2), dtype=jnp.float32) * 0.02
    inp["uW1"] = jax.random.normal(ks[11], (USER_IN, D), dtype=jnp.float32) * (1.0 / np.sqrt(USER_IN))
    inp["ub1"] = jnp.zeros((D,), dtype=jnp.float32)
    inp["uW2"] = jax.random.normal(ks[12], (D, D), dtype=jnp.float32) * (1.0 / np.sqrt(D))
    inp["ub2"] = jnp.zeros((D,), dtype=jnp.float32)
    inp["iW1"] = jax.random.normal(ks[13], (ITEM_IN, D), dtype=jnp.float32) * (1.0 / np.sqrt(ITEM_IN))
    inp["ib1"] = jnp.zeros((D,), dtype=jnp.float32)
    inp["iW2"] = jax.random.normal(ks[14], (D, D), dtype=jnp.float32) * (1.0 / np.sqrt(D))
    inp["ib2"] = jnp.zeros((D,), dtype=jnp.float32)
    return inp


def _l2norm(x):
    n = jnp.sqrt(jnp.sum(x * x, axis=1, keepdims=True))
    return x / jnp.maximum(n, 1e-12)


def reference(user_id, age, gender, item_id, category, price,
              user_table, age_table, gender_table, item_table, cat_table,
              uW1, ub1, uW2, ub2, iW1, ib1, iW2, ib2):
    # embedding lookups (SparseCore gathers), squeeze(1) on [B,1,D] -> [B,D]
    user_emb = jnp.take(user_table, user_id[:, 0], axis=0)
    age_emb = jnp.take(age_table, age[:, 0], axis=0)
    gender_emb = jnp.take(gender_table, gender[:, 0], axis=0)
    user_feat = jnp.concatenate([user_emb, age_emb, gender_emb], axis=1)
    h = jnp.maximum(user_feat @ uW1 + ub1, 0.0)
    user_vec = h @ uW2 + ub2
    user_vec = _l2norm(user_vec)

    item_emb = jnp.take(item_table, item_id[:, 0], axis=0)
    cat_emb = jnp.take(cat_table, category[:, 0], axis=0)
    item_feat = jnp.concatenate([item_emb, cat_emb, price / 1000.0], axis=1)
    h2 = jnp.maximum(item_feat @ iW1 + ib1, 0.0)
    item_vec = h2 @ iW2 + ib2
    item_vec = _l2norm(item_vec)

    logit = jnp.sum(user_vec * item_vec, axis=1)
    return logit

if __name__ == "__main__":
    import jax
    _d = setup_inputs()
    print(jax.jit(kernel)(*tuple(_d.values())))

</pallas_src>

<mosaic_0001>
#map = affine_map<(d0, d1) -> (0, 0)>
#map1 = affine_map<(d0, d1) -> (0)>
module attributes {stable_mosaic.version = 14 : i64} {
  func.func @k(%arg0: i32, %arg1: i32, %arg2: memref<125000x128xbf16, #tpu.memory_space<hbm>>, %arg3: memref<125000x128xbf16, #tpu.memory_space<hbm>>, %arg4: memref<16384xi32, #tpu.memory_space<hbm>>, %arg5: memref<16384xi32, #tpu.memory_space<hbm>>, %arg6: memref<16384x128xi32, #tpu.memory_space<hbm>>, %arg7: memref<16384x128xi32, #tpu.memory_space<hbm>>, %arg8: memref<512xi32, #tpu.memory_space<vmem>>, %arg9: memref<512xi32, #tpu.memory_space<vmem>>, %arg10: memref<256x128xi32, #tpu.memory_space<vmem>>, %arg11: memref<256x128xi32, #tpu.memory_space<vmem>>, %arg12: memref<!tpu.dma_semaphore, #tpu.memory_space<semaphore_mem>>, %arg13: memref<!tpu.dma_semaphore, #tpu.memory_space<semaphore_mem>>) attributes {dimension_semantics = [#tpu.dimension_semantics<core_parallel>, #tpu.dimension_semantics<subcore_parallel>], iteration_bounds = array<i64: 2, 16>, scalar_prefetch = 0 : i64, scratch_operands = 6 : i64, tpu.core_type = #tpu.core_type<sc_vector_subcore>, window_params = [{transform_indices = #map}, {transform_indices = #map}, {transform_indices = #map1}, {transform_indices = #map1}, {transform_indices = #map}, {transform_indices = #map}]} {
    %mul3A = arith.constant 2 : i32
    %mul3A_0 = arith.muli %arg1, %mul3A : i32
    %add3A = arith.addi %mul3A_0, %arg0 : i32
    %mul3A_1 = arith.constant 512 : i32
    %mul3A_2 = arith.muli %add3A, %mul3A_1 : i32
    "tpu.region"() ({
      %run_scoped3A = tpu.sem_alloc : memref<!tpu.dma_semaphore, #tpu.memory_space<semaphore_mem>>
      %dma_start3A = tpu.memref_slice %arg4[%mul3A_2] : memref<16384xi32, #tpu.memory_space<hbm>> -> memref<512xi32, #tpu.memory_space<hbm>>
      %dma_start3A_7 = tpu.memref_slice %arg4[%mul3A_2] : memref<16384xi32, #tpu.memory_space<hbm>> -> memref<512xi32, #tpu.memory_space<hbm>>
      tpu.enqueue_dma source(%dma_start3A_7 : memref<512xi32, #tpu.memory_space<hbm>>) target(%arg8 : memref<512xi32, #tpu.memory_space<vmem>>) target_semaphore(%run_scoped3A : memref<!tpu.dma_semaphore, #tpu.memory_space<semaphore_mem>>)
      %dma_wait3A = tpu.memref_slice %arg4[%mul3A_2] : memref<16384xi32, #tpu.memory_space<hbm>> -> memref<512xi32, #tpu.memory_space<hbm>>
      %dma_wait3A_8 = tpu.memref_slice %arg4[%mul3A_2] : memref<16384xi32, #tpu.memory_space<hbm>> -> memref<512xi32, #tpu.memory_space<hbm>>
      tpu.wait_dma2 semaphore(%run_scoped3A : memref<!tpu.dma_semaphore, #tpu.memory_space<semaphore_mem>>) src(%dma_wait3A_8 : memref<512xi32, #tpu.memory_space<hbm>>) dst(%arg8 : memref<512xi32, #tpu.memory_space<vmem>>)
      tpu.yield
    }) : () -> ()
    "tpu.region"() ({
      %run_scoped3A = tpu.sem_alloc : memref<!tpu.dma_semaphore, #tpu.memory_space<semaphore_mem>>
      %dma_start3A = tpu.memref_slice %arg5[%mul3A_2] : memref<16384xi32, #tpu.memory_space<hbm>> -> memref<512xi32, #tpu.memory_space<hbm>>
      %dma_start3A_7 = tpu.memref_slice %arg5[%mul3A_2] : memref<16384xi32, #tpu.memory_space<hbm>> -> memref<512xi32, #tpu.memory_space<hbm>>
      tpu.enqueue_dma source(%dma_start3A_7 : memref<512xi32, #tpu.memory_space<hbm>>) target(%arg9 : memref<512xi32, #tpu.memory_space<vmem>>) target_semaphore(%run_scoped3A : memref<!tpu.dma_semaphore, #tpu.memory_space<semaphore_mem>>)
      %dma_wait3A = tpu.memref_slice %arg5[%mul3A_2] : memref<16384xi32, #tpu.memory_space<hbm>> -> memref<512xi32, #tpu.memory_space<hbm>>
      %dma_wait3A_8 = tpu.memref_slice %arg5[%mul3A_2] : memref<16384xi32, #tpu.memory_space<hbm>> -> memref<512xi32, #tpu.memory_space<hbm>>
      tpu.wait_dma2 semaphore(%run_scoped3A : memref<!tpu.dma_semaphore, #tpu.memory_space<semaphore_mem>>) src(%dma_wait3A_8 : memref<512xi32, #tpu.memory_space<hbm>>) dst(%arg9 : memref<512xi32, #tpu.memory_space<vmem>>)
      tpu.yield
    }) : () -> ()
    %scan3A = arith.constant 0 : i32
    %scan3A_3 = arith.constant 2 : i32
    %scan3A_4 = arith.addi %scan3A, %scan3A_3 : i32
    %scan3A_5 = arith.constant 1 : i32
    scf.for %scan3A_7 = %scan3A to %scan3A_4 step %scan3A_5  : i32 {
      %mul3A_8 = arith.constant 1 : i32
      %mul3A_9 = arith.muli %scan3A_7, %mul3A_8 : i32
      %add3A_10 = arith.constant 0 : i32
      %add3A_11 = arith.addi %add3A_10, %mul3A_9 : i32
      %mul3A_12 = arith.constant 256 : i32
      %mul3A_13 = arith.muli %add3A_11, %mul3A_12 : i32
      %add3A_14 = arith.addi %mul3A_2, %mul3A_13 : i32
      %dma_start3A = tpu.memref_slice %arg8[%mul3A_13] : memref<512xi32, #tpu.memory_space<vmem>> -> memref<256xi32, #tpu.memory_space<vmem>>
      %dma_start3A_15 = tpu.memref_bitcast %arg2 : memref<125000x128xbf16, #tpu.memory_space<hbm>> -> memref<62500x128xi32, #tpu.memory_space<hbm>>
      %dma_start3A_16 = arith.constant 0 : i32
      %dma_start3A_17 = arith.constant 0 : i32
      %dma_start3A_18 = tpu.memref_slice %dma_start3A_15[%dma_start3A_16, %dma_start3A_17] : memref<62500x128xi32, #tpu.memory_space<hbm>> -> memref<62500x128xi32, #tpu.memory_space<hbm>>
      tpu.enqueue_indirect_dma source(%dma_start3A_18 : memref<62500x128xi32, #tpu.memory_space<hbm>>) target(%arg10 : memref<256x128xi32, #tpu.memory_space<vmem>>) offsets(%dma_start3A : memref<256xi32, #tpu.memory_space<vmem>>) semaphore(%arg12 : memref<!tpu.dma_semaphore, #tpu.memory_space<semaphore_mem>>)
      %dma_start3A_19 = tpu.memref_slice %arg9[%mul3A_13] : memref<512xi32, #tpu.memory_space<vmem>> -> memref<256xi32, #tpu.memory_space<vmem>>
      %dma_start3A_20 = tpu.memref_bitcast %arg3 : memref<125000x128xbf16, #tpu.memory_space<hbm>> -> memref<62500x128xi32, #tpu.memory_space<hbm>>
      %dma_start3A_21 = arith.constant 0 : i32
      %dma_start3A_22 = arith.constant 0 : i32
      %dma_start3A_23 = tpu.memref_slice %dma_start3A_20[%dma_start3A_21, %dma_start3A_22] : memref<62500x128xi32, #tpu.memory_space<hbm>> -> memref<62500x128xi32, #tpu.memory_space<hbm>>
      tpu.enqueue_indirect_dma source(%dma_start3A_23 : memref<62500x128xi32, #tpu.memory_space<hbm>>) target(%arg11 : memref<256x128xi32, #tpu.memory_space<vmem>>) offsets(%dma_start3A_19 : memref<256xi32, #tpu.memory_space<vmem>>) semaphore(%arg13 : memref<!tpu.dma_semaphore, #tpu.memory_space<semaphore_mem>>)
      %dma_wait3A = tpu.memref_slice %arg8[%mul3A_13] : memref<512xi32, #tpu.memory_space<vmem>> -> memref<256xi32, #tpu.memory_space<vmem>>
      %dma_wait3A_24 = tpu.memref_bitcast %arg2 : memref<125000x128xbf16, #tpu.memory_space<hbm>> -> memref<62500x128xi32, #tpu.memory_space<hbm>>
      %dma_wait3A_25 = arith.constant 0 : i32
      %dma_wait3A_26 = arith.constant 0 : i32
      %dma_wait3A_27 = tpu.memref_slice %dma_wait3A_24[%dma_wait3A_25, %dma_wait3A_26] : memref<62500x128xi32, #tpu.memory_space<hbm>> -> memref<62500x128xi32, #tpu.memory_space<hbm>>
      tpu.wait_indirect_dma semaphore(%arg12 : memref<!tpu.dma_semaphore, #tpu.memory_space<semaphore_mem>>) src(%dma_wait3A_27 : memref<62500x128xi32, #tpu.memory_space<hbm>>) dst(%arg10 : memref<256x128xi32, #tpu.memory_space<vmem>>)
      %dma_wait3A_28 = tpu.memref_slice %arg9[%mul3A_13] : memref<512xi32, #tpu.memory_space<vmem>> -> memref<256xi32, #tpu.memory_space<vmem>>
      %dma_wait3A_29 = tpu.memref_bitcast %arg3 : memref<125000x128xbf16, #tpu.memory_space<hbm>> -> memref<62500x128xi32, #tpu.memory_space<hbm>>
      %dma_wait3A_30 = arith.constant 0 : i32
      %dma_wait3A_31 = arith.constant 0 : i32
      %dma_wait3A_32 = tpu.memref_slice %dma_wait3A_29[%dma_wait3A_30, %dma_wait3A_31] : memref<62500x128xi32, #tpu.memory_space<hbm>> -> memref<62500x128xi32, #tpu.memory_space<hbm>>
      tpu.wait_indirect_dma semaphore(%arg13 : memref<!tpu.dma_semaphore, #tpu.memory_space<semaphore_mem>>) src(%dma_wait3A_32 : memref<62500x128xi32, #tpu.memory_space<hbm>>) dst(%arg11 : memref<256x128xi32, #tpu.memory_space<vmem>>)
      "tpu.region"() ({
        %run_scoped3A = tpu.sem_alloc : memref<!tpu.dma_semaphore, #tpu.memory_space<semaphore_mem>>
        %dma_start3A_33 = arith.constant 0 : i32
        %dma_start3A_34 = tpu.memref_slice %arg6[%add3A_14, %dma_start3A_33] : memref<16384x128xi32, #tpu.memory_space<hbm>> -> memref<256x128xi32, #tpu.memory_space<hbm>>
        %dma_start3A_35 = arith.constant 0 : i32
        %dma_start3A_36 = tpu.memref_slice %arg6[%add3A_14, %dma_start3A_35] : memref<16384x128xi32, #tpu.memory_space<hbm>> -> memref<256x128xi32, #tpu.memory_space<hbm>>
        tpu.enqueue_dma source(%arg10 : memref<256x128xi32, #tpu.memory_space<vmem>>) target(%dma_start3A_36 : memref<256x128xi32, #tpu.memory_space<hbm>>) target_semaphore(%run_scoped3A : memref<!tpu.dma_semaphore, #tpu.memory_space<semaphore_mem>>)
        %dma_wait3A_37 = arith.constant 0 : i32
        %dma_wait3A_38 = tpu.memref_slice %arg6[%add3A_14, %dma_wait3A_37] : memref<16384x128xi32, #tpu.memory_space<hbm>> -> memref<256x128xi32, #tpu.memory_space<hbm>>
        %dma_wait3A_39 = arith.constant 0 : i32
        %dma_wait3A_40 = tpu.memref_slice %arg6[%add3A_14, %dma_wait3A_39] : memref<16384x128xi32, #tpu.memory_space<hbm>> -> memref<256x128xi32, #tpu.memory_space<hbm>>
        tpu.wait_dma2 semaphore(%run_scoped3A : memref<!tpu.dma_semaphore, #tpu.memory_space<semaphore_mem>>) src(%arg10 : memref<256x128xi32, #tpu.memory_space<vmem>>) dst(%dma_wait3A_40 : memref<256x128xi32, #tpu.memory_space<hbm>>)
        tpu.yield
      }) : () -> ()
      "tpu.region"() ({
        %run_scoped3A = tpu.sem_alloc : memref<!tpu.dma_semaphore, #tpu.memory_space<semaphore_mem>>
        %dma_start3A_33 = arith.constant 0 : i32
        %dma_start3A_34 = tpu.memref_slice %arg7[%add3A_14, %dma_start3A_33] : memref<16384x128xi32, #tpu.memory_space<hbm>> -> memref<256x128xi32, #tpu.memory_space<hbm>>
        %dma_start3A_35 = arith.constant 0 : i32
        %dma_start3A_36 = tpu.memref_slice %arg7[%add3A_14, %dma_start3A_35] : memref<16384x128xi32, #tpu.memory_space<hbm>> -> memref<256x128xi32, #tpu.memory_space<hbm>>
        tpu.enqueue_dma source(%arg11 : memref<256x128xi32, #tpu.memory_space<vmem>>) target(%dma_start3A_36 : memref<256x128xi32, #tpu.memory_space<hbm>>) target_semaphore(%run_scoped3A : memref<!tpu.dma_semaphore, #tpu.memory_space<semaphore_mem>>)
        %dma_wait3A_37 = arith.constant 0 : i32
        %dma_wait3A_38 = tpu.memref_slice %arg7[%add3A_14, %dma_wait3A_37] : memref<16384x128xi32, #tpu.memory_space<hbm>> -> memref<256x128xi32, #tpu.memory_space<hbm>>
        %dma_wait3A_39 = arith.constant 0 : i32
        %dma_wait3A_40 = tpu.memref_slice %arg7[%add3A_14, %dma_wait3A_39] : memref<16384x128xi32, #tpu.memory_space<hbm>> -> memref<256x128xi32, #tpu.memory_space<hbm>>
        tpu.wait_dma2 semaphore(%run_scoped3A : memref<!tpu.dma_semaphore, #tpu.memory_space<semaphore_mem>>) src(%arg11 : memref<256x128xi32, #tpu.memory_space<vmem>>) dst(%dma_wait3A_40 : memref<256x128xi32, #tpu.memory_space<hbm>>)
        tpu.yield
      }) : () -> ()
    }
    %scan3A_6 = arith.constant 2 : i32
    return
  }
}

module attributes {stable_mosaic.version = 14 : i64} {
  func.func @_dense_body(%arg0: i32, %arg1: memref<2048x128xi32, #tpu.memory_space<vmem>>, %arg2: memref<2048x128xi32, #tpu.memory_space<vmem>>, %arg3: memref<2048x1xi32, #tpu.memory_space<vmem>>, %arg4: memref<2048x1xi32, #tpu.memory_space<vmem>>, %arg5: memref<2048x1xi32, #tpu.memory_space<vmem>>, %arg6: memref<2048x1xi32, #tpu.memory_space<vmem>>, %arg7: memref<2048x1xi32, #tpu.memory_space<vmem>>, %arg8: memref<2048x1xf32, #tpu.memory_space<vmem>>, %arg9: memref<128x16xf32, #tpu.memory_space<vmem>>, %arg10: memref<8x16xf32, #tpu.memory_space<vmem>>, %arg11: memref<1024x16xf32, #tpu.memory_space<vmem>>, %arg12: memref<128x16xf32, #tpu.memory_space<vmem>>, %arg13: memref<16x16xf32, #tpu.memory_space<vmem>>, %arg14: memref<16x16xf32, #tpu.memory_space<vmem>>, %arg15: memref<1x16xf32, #tpu.memory_space<vmem>>, %arg16: memref<16x16xf32, #tpu.memory_space<vmem>>, %arg17: memref<1x16xf32, #tpu.memory_space<vmem>>, %arg18: memref<128x16xf32, #tpu.memory_space<vmem>>, %arg19: memref<16x16xf32, #tpu.memory_space<vmem>>, %arg20: memref<1x16xf32, #tpu.memory_space<vmem>>, %arg21: memref<1x16xf32, #tpu.memory_space<vmem>>, %arg22: memref<16x16xf32, #tpu.memory_space<vmem>>, %arg23: memref<1x16xf32, #tpu.memory_space<vmem>>, %arg24: memref<2048x1xf32, #tpu.memory_space<vmem>>) attributes {dimension_semantics = [#tpu.dimension_semantics<arbitrary>], iteration_bounds = array<i64: 8>, scalar_prefetch = 0 : i64, scratch_operands = 0 : i64, tpu.core_type = #tpu.core_type<tc>, window_params = [{transform_indices = @transform_0, window_bounds = array<i64: 2048, 128>}, {transform_indices = @transform_1, window_bounds = array<i64: 2048, 128>}, {transform_indices = @transform_2, window_bounds = array<i64: 2048, 1>}, {transform_indices = @transform_3, window_bounds = array<i64: 2048, 1>}, {transform_indices = @transform_4, window_bounds = array<i64: 2048, 1>}, {transform_indices = @transform_5, window_bounds = array<i64: 2048, 1>}, {transform_indices = @transform_6, window_bounds = array<i64: 2048, 1>}, {transform_indices = @transform_7, window_bounds = array<i64: 2048, 1>}, {pipeline_mode = #tpu.pipeline_mode<synchronous>, transform_indices = @transform_8, window_bounds = array<i64: 128, 16>}, {pipeline_mode = #tpu.pipeline_mode<synchronous>, transform_indices = @transform_9, window_bounds = array<i64: 8, 16>}, {pipeline_mode = #tpu.pipeline_mode<synchronous>, transform_indices = @transform_10, window_bounds = array<i64: 1024, 16>}, {pipeline_mode = #tpu.pipeline_mode<synchronous>, transform_indices = @transform_11, window_bounds = array<i64: 128, 16>}, {pipeline_mode = #tpu.pipeline_mode<synchronous>, transform_indices = @transform_12, window_bounds = array<i64: 16, 16>}, {pipeline_mode = #tpu.pipeline_mode<synchronous>, transform_indices = @transform_13, window_bounds = array<i64: 16, 16>}, {pipeline_mode = #tpu.pipeline_mode<synchronous>, transform_indices = @transform_14, window_bounds = array<i64: 1, 16>}, {pipeline_mode = #tpu.pipeline_mode<synchronous>, transform_indices = @transform_15, window_bounds = array<i64: 16, 16>}, {pipeline_mode = #tpu.pipeline_mode<synchronous>, transform_indices = @transform_16, window_bounds = array<i64: 1, 16>}, {pipeline_mode = #tpu.pipeline_mode<synchronous>, transform_indices = @transform_17, window_bounds = array<i64: 128, 16>}, {pipeline_mode = #tpu.pipeline_mode<synchronous>, transform_indices = @transform_18, window_bounds = array<i64: 16, 16>}, {pipeline_mode = #tpu.pipeline_mode<synchronous>, transform_indices = @transform_19, window_bounds = array<i64: 1, 16>}, {pipeline_mode = #tpu.pipeline_mode<synchronous>, transform_indices = @transform_20, window_bounds = array<i64: 1, 16>}, {pipeline_mode = #tpu.pipeline_mode<synchronous>, transform_indices = @transform_21, window_bounds = array<i64: 16, 16>}, {pipeline_mode = #tpu.pipeline_mode<synchronous>, transform_indices = @transform_22, window_bounds = array<i64: 1, 16>}, {transform_indices = @transform_23, window_bounds = array<i64: 2048, 1>}]} {
    %iota3A = tpu.iota {dimensions = array<i32: 1>} : vector<2048x128xi32>
    %shift_right_arithmetic3A = arith.constant 4 : i32
    %shift_right_arithmetic3A_0 = vector.broadcast %shift_right_arithmetic3A : i32 to vector<2048x128xi32>
    %shift_right_arithmetic3A_1 = arith.shrsi %iota3A, %shift_right_arithmetic3A_0 : vector<2048x128xi32>
    %get3A = arith.constant 0 : index
    %get3A_2 = arith.constant 0 : index
    %get3A_3 = vector.load %arg1[%get3A, %get3A_2] : memref<2048x128xi32, #tpu.memory_space<vmem>>, vector<2048x128xi32>
    %shift_left3A = arith.constant 16 : i32
    %shift_left3A_4 = vector.broadcast %shift_left3A : i32 to vector<2048x128xi32>
    %shift_left3A_5 = arith.shli %get3A_3, %shift_left3A_4 : vector<2048x128xi32>
    %bitcast_convert_type3A = tpu.bitcast %shift_left3A_5 : vector<2048x128xi32> -> vector<2048x128xf32>
    %and3A = arith.constant -65536 : i32
    %and3A_6 = vector.broadcast %and3A : i32 to vector<2048x128xi32>
    %and3A_7 = arith.andi %get3A_3, %and3A_6 : vector<2048x128xi32>
    %bitcast_convert_type3A_8 = tpu.bitcast %and3A_7 : vector<2048x128xi32> -> vector<2048x128xf32>
    %get3A_9 = arith.constant 0 : index
    %get3A_10 = arith.constant 0 : index
    %get3A_11 = vector.load %arg3[%get3A_9, %get3A_10] : memref<2048x1xi32, #tpu.memory_space<vmem>>, vector<2048x1xi32>
    %and3A_12 = arith.constant 15 : i32
    %and3A_13 = vector.broadcast %and3A_12 : i32 to vector<2048x1xi32>
    %and3A_14 = arith.andi %get3A_11, %and3A_13 : vector<2048x1xi32>
    %and3A_15 = arith.constant 7 : i32
    %and3A_16 = vector.broadcast %and3A_15 : i32 to vector<2048x1xi32>
    %and3A_17 = arith.andi %and3A_14, %and3A_16 : vector<2048x1xi32>
    %eq3A = vector.broadcast %and3A_17 : vector<2048x1xi32> to vector<2048x128xi32>
    %eq3A_18 = arith.cmpi eq, %shift_right_arithmetic3A_1, %eq3A : vector<2048x128xi32>
    %lt3A = arith.constant 8 : i32
    %lt3A_19 = vector.broadcast %lt3A : i32 to vector<2048x1xi32>
    %lt3A_20 = arith.cmpi slt, %and3A_14, %lt3A_19 : vector<2048x1xi32>
    %broadcast_in_dim3A = vector.shape_cast %lt3A_20 : vector<2048x1xi1> to vector<2048x1xi1>
    %broadcast_in_dim3A_21 = vector.broadcast %broadcast_in_dim3A : vector<2048x1xi1> to vector<2048x128xi1>
    %select_n3A = arith.select %broadcast_in_dim3A_21, %bitcast_convert_type3A, %bitcast_convert_type3A_8 : vector<2048x128xi1>, vector<2048x128xf32>
    %jit3A = arith.constant 0.000000e+00 : f32
    %broadcast_in_dim3A_22 = vector.broadcast %jit3A : f32 to vector<2048x128xf32>
    %select_n3A_23 = arith.select %eq3A_18, %select_n3A, %broadcast_in_dim3A_22 : vector<2048x128xi1>, vector<2048x128xf32>
    %get3A_24 = arith.constant 0 : index
    %get3A_25 = arith.constant 0 : index
    %get3A_26 = vector.load %arg12[%get3A_24, %get3A_25] : memref<128x16xf32, #tpu.memory_space<vmem>>, vector<128x16xf32>
    %dot_general3A = arith.constant dense<0.000000e+00> : vector<2048x16xf32>
    %dot_general3A_27 = tpu.matmul %select_n3A_23, %get3A_26, %dot_general3A {dimension_numbers = #tpu.dot_dimension_numbers<[1], [0], [0], [1], [0, 0, 1, 1], [], []>, transpose_lhs_hint = false} : vector<2048x128xf32>, vector<128x16xf32>, vector<2048x16xf32> -> vector<2048x16xf32>
    %get3A_28 = arith.constant 0 : index
    %get3A_29 = arith.constant 0 : index
    %get3A_30 = vector.load %arg2[%get3A_28, %get3A_29] : memref<2048x128xi32, #tpu.memory_space<vmem>>, vector<2048x128xi32>
    %shift_left3A_31 = arith.constant 16 : i32
    %shift_left3A_32 = vector.broadcast %shift_left3A_31 : i32 to vector<2048x128xi32>
    %shift_left3A_33 = arith.shli %get3A_30, %shift_left3A_32 : vector<2048x128xi32>
    %bitcast_convert_type3A_34 = tpu.bitcast %shift_left3A_33 : vector<2048x128xi32> -> vector<2048x128xf32>
    %and3A_35 = arith.constant -65536 : i32
    %and3A_36 = vector.broadcast %and3A_35 : i32 to vector<2048x128xi32>
    %and3A_37 = arith.andi %get3A_30, %and3A_36 : vector<2048x128xi32>
    %bitcast_convert_type3A_38 = tpu.bitcast %and3A_37 : vector<2048x128xi32> -> vector<2048x128xf32>
    %get3A_39 = arith.constant 0 : index
    %get3A_40 = arith.constant 0 : index
    %get3A_41 = vector.load %arg4[%get3A_39, %get3A_40] : memref<2048x1xi32, #tpu.memory_space<vmem>>, vector<2048x1xi32>
    %and3A_42 = arith.constant 15 : i32
    %and3A_43 = vector.broadcast %and3A_42 : i32 to vector<2048x1xi32>
    %and3A_44 = arith.andi %get3A_41, %and3A_43 : vector<2048x1xi32>
    %and3A_45 = arith.constant 7 : i32
    %and3A_46 = vector.broadcast %and3A_45 : i32 to vector<2048x1xi32>
    %and3A_47 = arith.andi %and3A_44, %and3A_46 : vector<2048x1xi32>
    %eq3A_48 = vector.broadcast %and3A_47 : vector<2048x1xi32> to vector<2048x128xi32>
    %eq3A_49 = arith.cmpi eq, %shift_right_arithmetic3A_1, %eq3A_48 : vector<2048x128xi32>
    %lt3A_50 = arith.constant 8 : i32
    %lt3A_51 = vector.broadcast %lt3A_50 : i32 to vector<2048x1xi32>
    %lt3A_52 = arith.cmpi slt, %and3A_44, %lt3A_51 : vector<2048x1xi32>
    %broadcast_in_dim3A_53 = vector.shape_cast %lt3A_52 : vector<2048x1xi1> to vector<2048x1xi1>
    %broadcast_in_dim3A_54 = vector.broadcast %broadcast_in_dim3A_53 : vector<2048x1xi1> to vector<2048x128xi1>
    %select_n3A_55 = arith.select %broadcast_in_dim3A_54, %bitcast_convert_type3A_34, %bitcast_convert_type3A_38 : vector<2048x128xi1>, vector<2048x128xf32>
    %jit3A_56 = arith.constant 0.000000e+00 : f32
    %broadcast_in_dim3A_57 = vector.broadcast %jit3A_56 : f32 to vector<2048x128xf32>
    %select_n3A_58 = arith.select %eq3A_49, %select_n3A_55, %broadcast_in_dim3A_57 : vector<2048x128xi1>, vector<2048x128xf32>
    %get3A_59 = arith.constant 0 : index
    %get3A_60 = arith.constant 0 : index
    %get3A_61 = vector.load %arg18[%get3A_59, %get3A_60] : memref<128x16xf32, #tpu.memory_space<vmem>>, vector<128x16xf32>
    %dot_general3A_62 = arith.constant dense<0.000000e+00> : vector<2048x16xf32>
    %dot_general3A_63 = tpu.matmul %select_n3A_58, %get3A_61, %dot_general3A_62 {dimension_numbers = #tpu.dot_dimension_numbers<[1], [0], [0], [1], [0, 0, 1, 1], [], []>, transpose_lhs_hint = false} : vector<2048x128xf32>, vector<128x16xf32>, vector<2048x16xf32> -> vector<2048x16xf32>
    %get3A_64 = arith.constant 0 : index
    %get3A_65 = arith.constant 0 : index
    %get3A_66 = vector.load %arg11[%get3A_64, %get3A_65] : memref<1024x16xf32, #tpu.memory_space<vmem>>, vector<1024x16xf32>
    %get3A_67 = arith.constant 0 : index
    %get3A_68 = arith.constant 0 : index
    %get3A_69 = vector.load %arg19[%get3A_67, %get3A_68] : memref<16x16xf32, #tpu.memory_space<vmem>>, vector<16x16xf32>
    %dot_general3A_70 = arith.constant dense<0.000000e+00> : vector<1024x16xf32>
    %dot_general3A_71 = tpu.matmul %get3A_66, %get3A_69, %dot_general3A_70 {dimension_numbers = #tpu.dot_dimension_numbers<[1], [0], [0], [1], [0, 0, 1, 1], [], []>, transpose_lhs_hint = false} : vector<1024x16xf32>, vector<16x16xf32>, vector<1024x16xf32> -> vector<1024x16xf32>
    %get3A_72 = arith.constant 0 : index
    %get3A_73 = arith.constant 0 : index
    %get3A_74 = vector.load %arg5[%get3A_72, %get3A_73] : memref<2048x1xi32, #tpu.memory_space<vmem>>, vector<2048x1xi32>
    %iota3A_75 = tpu.iota {dimensions = array<i32: 1>} : vector<2048x1024xi32>
    %eq3A_76 = vector.broadcast %get3A_74 : vector<2048x1xi32> to vector<2048x1024xi32>
    %eq3A_77 = arith.cmpi eq, %eq3A_76, %iota3A_75 : vector<2048x1024xi32>
    %convert_element_type3A = arith.extui %eq3A_77 : vector<2048x1024xi1> to vector<2048x1024xi32>
    %convert_element_type3A_78 = arith.sitofp %convert_element_type3A : vector<2048x1024xi32> to vector<2048x1024xf32>
    %dot_general3A_79 = arith.constant dense<0.000000e+00> : vector<2048x16xf32>
    %dot_general3A_80 = tpu.matmul %convert_element_type3A_78, %dot_general3A_71, %dot_general3A_79 {dimension_numbers = #tpu.dot_dimension_numbers<[1], [0], [0], [1], [0, 0, 1, 1], [], []>, transpose_lhs_hint = false} : vector<2048x1024xf32>, vector<1024x16xf32>, vector<2048x16xf32> -> vector<2048x16xf32>
    %get3A_81 = arith.constant 0 : index
    %get3A_82 = arith.constant 0 : index
    %get3A_83 = vector.load %arg6[%get3A_81, %get3A_82] : memref<2048x1xi32, #tpu.memory_space<vmem>>, vector<2048x1xi32>
    %iota3A_84 = tpu.iota {dimensions = array<i32: 1>} : vector<2048x128xi32>
    %eq3A_85 = vector.broadcast %get3A_83 : vector<2048x1xi32> to vector<2048x128xi32>
    %eq3A_86 = arith.cmpi eq, %eq3A_85, %iota3A_84 : vector<2048x128xi32>
    %convert_element_type3A_87 = arith.extui %eq3A_86 : vector<2048x128xi1> to vector<2048x128xi32>
    %convert_element_type3A_88 = arith.sitofp %convert_element_type3A_87 : vector<2048x128xi32> to vector<2048x128xf32>
    %get3A_89 = arith.constant 0 : index
    %get3A_90 = arith.constant 0 : index
    %get3A_91 = vector.load %arg9[%get3A_89, %get3A_90] : memref<128x16xf32, #tpu.memory_space<vmem>>, vector<128x16xf32>
    %dot_general3A_92 = arith.constant dense<0.000000e+00> : vector<2048x16xf32>
    %dot_general3A_93 = tpu.matmul %convert_element_type3A_88, %get3A_91, %dot_general3A_92 {dimension_numbers = #tpu.dot_dimension_numbers<[1], [0], [0], [1], [0, 0, 1, 1], [], []>, transpose_lhs_hint = false} : vector<2048x128xf32>, vector<128x16xf32>, vector<2048x16xf32> -> vector<2048x16xf32>
    %get3A_94 = arith.constant 0 : index
    %get3A_95 = arith.constant 0 : index
    %get3A_96 = vector.load %arg7[%get3A_94, %get3A_95] : memref<2048x1xi32, #tpu.memory_space<vmem>>, vector<2048x1xi32>
    %iota3A_97 = tpu.iota {dimensions = array<i32: 1>} : vector<2048x8xi32>
    %eq3A_98 = vector.broadcast %get3A_96 : vector<2048x1xi32> to vector<2048x8xi32>
    %eq3A_99 = arith.cmpi eq, %eq3A_98, %iota3A_97 : vector<2048x8xi32>
    %convert_element_type3A_100 = arith.extui %eq3A_99 : vector<2048x8xi1> to vector<2048x8xi32>
    %convert_element_type3A_101 = arith.sitofp %convert_element_type3A_100 : vector<2048x8xi32> to vector<2048x8xf32>
    %get3A_102 = arith.constant 0 : index
    %get3A_103 = arith.constant 0 : index
    %get3A_104 = vector.load %arg10[%get3A_102, %get3A_103] : memref<8x16xf32, #tpu.memory_space<vmem>>, vector<8x16xf32>
    %dot_general3A_105 = arith.constant dense<0.000000e+00> : vector<2048x16xf32>
    %dot_general3A_106 = tpu.matmul %convert_element_type3A_101, %get3A_104, %dot_general3A_105 {dimension_numbers = #tpu.dot_dimension_numbers<[1], [0], [0], [1], [0, 0, 1, 1], [], []>, transpose_lhs_hint = false} : vector<2048x8xf32>, vector<8x16xf32>, vector<2048x16xf32> -> vector<2048x16xf32>
    %get3A_107 = arith.constant 0 : index
    %get3A_108 = arith.constant 0 : index
    %get3A_109 = vector.load %arg13[%get3A_107, %get3A_108] : memref<16x16xf32, #tpu.memory_space<vmem>>, vector<16x16xf32>
    %dot_general3A_110 = arith.constant dense<0.000000e+00> : vector<2048x16xf32>
    %dot_general3A_111 = tpu.matmul %dot_general3A_93, %get3A_109, %dot_general3A_110 {dimension_numbers = #tpu.dot_dimension_numbers<[1], [0], [0], [1], [0, 0, 1, 1], [], []>, transpose_lhs_hint = false} : vector<2048x16xf32>, vector<16x16xf32>, vector<2048x16xf32> -> vector<2048x16xf32>
    %add3A = arith.addf %dot_general3A_27, %dot_general3A_111 : vector<2048x16xf32>
    %get3A_112 = arith.constant 0 : index
    %get3A_113 = arith.constant 0 : index
    %get3A_114 = vector.load %arg14[%get3A_112, %get3A_113] : memref<16x16xf32, #tpu.memory_space<vmem>>, vector<16x16xf32>
    %dot_general3A_115 = arith.constant dense<0.000000e+00> : vector<2048x16xf32>
    %dot_general3A_116 = tpu.matmul %dot_general3A_106, %get3A_114, %dot_general3A_115 {dimension_numbers = #tpu.dot_dimension_numbers<[1], [0], [0], [1], [0, 0, 1, 1], [], []>, transpose_lhs_hint = false} : vector<2048x16xf32>, vector<16x16xf32>, vector<2048x16xf32> -> vector<2048x16xf32>
    %add3A_117 = arith.addf %add3A, %dot_general3A_116 : vector<2048x16xf32>
    %get3A_118 = arith.constant 0 : index
    %get3A_119 = arith.constant 0 : index
    %get3A_120 = vector.load %arg15[%get3A_118, %get3A_119] : memref<1x16xf32, #tpu.memory_space<vmem>>, vector<1x16xf32>
    %add3A_121 = vector.broadcast %get3A_120 : vector<1x16xf32> to vector<2048x16xf32>
    %add3A_122 = arith.addf %add3A_117, %add3A_121 : vector<2048x16xf32>
    %max3A = arith.constant 0.000000e+00 : f32
    %max3A_123 = vector.broadcast %max3A : f32 to vector<2048x16xf32>
    %max3A_124 = arith.maximumf %add3A_122, %max3A_123 : vector<2048x16xf32>
    %get3A_125 = arith.constant 0 : index
    %get3A_126 = arith.constant 0 : index
    %get3A_127 = vector.load %arg16[%get3A_125, %get3A_126] : memref<16x16xf32, #tpu.memory_space<vmem>>, vector<16x16xf32>
    %dot_general3A_128 = arith.constant dense<0.000000e+00> : vector<2048x16xf32>
    %dot_general3A_129 = tpu.matmul %max3A_124, %get3A_127, %dot_general3A_128 {dimension_numbers = #tpu.dot_dimension_numbers<[1], [0], [0], [1], [0, 0, 1, 1], [], []>, transpose_lhs_hint = false} : vector<2048x16xf32>, vector<16x16xf32>, vector<2048x16xf32> -> vector<2048x16xf32>
    %get3A_130 = arith.constant 0 : index
    %get3A_131 = arith.constant 0 : index
    %get3A_132 = vector.load %arg17[%get3A_130, %get3A_131] : memref<1x16xf32, #tpu.memory_space<vmem>>, vector<1x16xf32>
    %add3A_133 = vector.broadcast %get3A_132 : vector<1x16xf32> to vector<2048x16xf32>
    %add3A_134 = arith.addf %dot_general3A_129, %add3A_133 : vector<2048x16xf32>
    %add3A_135 = arith.addf %dot_general3A_63, %dot_general3A_80 : vector<2048x16xf32>
    %get3A_136 = arith.constant 0 : index
    %get3A_137 = arith.constant 0 : index
    %get3A_138 = vector.load %arg8[%get3A_136, %get3A_137] : memref<2048x1xf32, #tpu.memory_space<vmem>>, vector<2048x1xf32>
    %mul3A = arith.constant 1.000000e-03 : f32
    %mul3A_139 = vector.broadcast %mul3A : f32 to vector<2048x1xf32>
    %mul3A_140 = arith.mulf %get3A_138, %mul3A_139 : vector<2048x1xf32>
    %get3A_141 = arith.constant 0 : index
    %get3A_142 = arith.constant 0 : index
    %get3A_143 = vector.load %arg20[%get3A_141, %get3A_142] : memref<1x16xf32, #tpu.memory_space<vmem>>, vector<1x16xf32>
    %mul3A_144 = vector.broadcast %mul3A_140 : vector<2048x1xf32> to vector<2048x16xf32>
    %mul3A_145 = vector.broadcast %get3A_143 : vector<1x16xf32> to vector<2048x16xf32>
    %mul3A_146 = arith.mulf %mul3A_144, %mul3A_145 : vector<2048x16xf32>
    %add3A_147 = arith.addf %add3A_135, %mul3A_146 : vector<2048x16xf32>
    %get3A_148 = arith.constant 0 : index
    %get3A_149 = arith.constant 0 : index
    %get3A_150 = vector.load %arg21[%get3A_148, %get3A_149] : memref<1x16xf32, #tpu.memory_space<vmem>>, vector<1x16xf32>
    %add3A_151 = vector.broadcast %get3A_150 : vector<1x16xf32> to vector<2048x16xf32>
    %add3A_152 = arith.addf %add3A_147, %add3A_151 : vector<2048x16xf32>
    %max3A_153 = arith.constant 0.000000e+00 : f32
    %max3A_154 = vector.broadcast %max3A_153 : f32 to vector<2048x16xf32>
    %max3A_155 = arith.maximumf %add3A_152, %max3A_154 : vector<2048x16xf32>
    %get3A_156 = arith.constant 0 : index
    %get3A_157 = arith.constant 0 : index
    %get3A_158 = vector.load %arg22[%get3A_156, %get3A_157] : memref<16x16xf32, #tpu.memory_space<vmem>>, vector<16x16xf32>
    %dot_general3A_159 = arith.constant dense<0.000000e+00> : vector<2048x16xf32>
    %dot_general3A_160 = tpu.matmul %max3A_155, %get3A_158, %dot_general3A_159 {dimension_numbers = #tpu.dot_dimension_numbers<[1], [0], [0], [1], [0, 0, 1, 1], [], []>, transpose_lhs_hint = false} : vector<2048x16xf32>, vector<16x16xf32>, vector<2048x16xf32> -> vector<2048x16xf32>
    %get3A_161 = arith.constant 0 : index
    %get3A_162 = arith.constant 0 : index
    %get3A_163 = vector.load %arg23[%get3A_161, %get3A_162] : memref<1x16xf32, #tpu.memory_space<vmem>>, vector<1x16xf32>
    %add3A_164 = vector.broadcast %get3A_163 : vector<1x16xf32> to vector<2048x16xf32>
    %add3A_165 = arith.addf %dot_general3A_160, %add3A_164 : vector<2048x16xf32>
    %mul3A_166 = arith.mulf %add3A_134, %add3A_165 : vector<2048x16xf32>
    %reduce_sum3A = arith.constant dense<0.000000e+00> : vector<2048xf32>
    %reduce_sum3A_167 = vector.multi_reduction <add>, %mul3A_166, %reduce_sum3A [1] : vector<2048x16xf32> to vector<2048xf32>
    %broadcast_in_dim3A_168 = vector.shape_cast %reduce_sum3A_167 : vector<2048xf32> to vector<2048x1xf32>
    %mul3A_169 = arith.mulf %add3A_134, %add3A_134 : vector<2048x16xf32>
    %reduce_sum3A_170 = arith.constant dense<0.000000e+00> : vector<2048xf32>
    %reduce_sum3A_171 = vector.multi_reduction <add>, %mul3A_169, %reduce_sum3A_170 [1] : vector<2048x16xf32> to vector<2048xf32>
    %broadcast_in_dim3A_172 = vector.shape_cast %reduce_sum3A_171 : vector<2048xf32> to vector<2048x1xf32>
    %sqrt3A = math.sqrt %broadcast_in_dim3A_172 : vector<2048x1xf32>
    %max3A_173 = arith.constant 9.99999996E-13 : f32
    %max3A_174 = vector.broadcast %max3A_173 : f32 to vector<2048x1xf32>
    %max3A_175 = arith.maximumf %sqrt3A, %max3A_174 : vector<2048x1xf32>
    %mul3A_176 = arith.mulf %add3A_165, %add3A_165 : vector<2048x16xf32>
    %reduce_sum3A_177 = arith.constant dense<0.000000e+00> : vector<2048xf32>
    %reduce_sum3A_178 = vector.multi_reduction <add>, %mul3A_176, %reduce_sum3A_177 [1] : vector<2048x16xf32> to vector<2048xf32>
    %broadcast_in_dim3A_179 = vector.shape_cast %reduce_sum3A_178 : vector<2048xf32> to vector<2048x1xf32>
    %sqrt3A_180 = math.sqrt %broadcast_in_dim3A_179 : vector<2048x1xf32>
    %max3A_181 = arith.constant 9.99999996E-13 : f32
    %max3A_182 = vector.broadcast %max3A_181 : f32 to vector<2048x1xf32>
    %max3A_183 = arith.maximumf %sqrt3A_180, %max3A_182 : vector<2048x1xf32>
    %mul3A_184 = arith.mulf %max3A_175, %max3A_183 : vector<2048x1xf32>
    %div3A = arith.divf %broadcast_in_dim3A_168, %mul3A_184 : vector<2048x1xf32>
    %swap3A = arith.constant 0 : index
    %swap3A_185 = arith.constant 0 : index
    %swap3A_186 = vector.load %arg24[%swap3A, %swap3A_185] : memref<2048x1xf32, #tpu.memory_space<vmem>>, vector<2048x1xf32>
    tpu.vector_store %arg24[%swap3A, %swap3A_185], %div3A {strides = array<i32>} : memref<2048x1xf32, #tpu.memory_space<vmem>>, vector<2048x1xf32>,
    return
  }
  func.func @transform_0(%arg0: i32) -> (i32, i32) {
    %c0_i32 = arith.constant 0 : i32
    %c0_i32_0 = arith.constant 0 : i32
    return %arg0, %c0_i32 : i32, i32
  }
  func.func @transform_1(%arg0: i32) -> (i32, i32) {
    %c0_i32 = arith.constant 0 : i32
    %c0_i32_0 = arith.constant 0 : i32
    return %arg0, %c0_i32 : i32, i32
  }
  func.func @transform_2(%arg0: i32) -> (i32, i32) {
    %c0_i32 = arith.constant 0 : i32
    %c0_i32_0 = arith.constant 0 : i32
    return %arg0, %c0_i32 : i32, i32
  }
  func.func @transform_3(%arg0: i32) -> (i32, i32) {
    %c0_i32 = arith.constant 0 : i32
    %c0_i32_0 = arith.constant 0 : i32
    return %arg0, %c0_i32 : i32, i32
  }
  func.func @transform_4(%arg0: i32) -> (i32, i32) {
    %c0_i32 = arith.constant 0 : i32
    %c0_i32_0 = arith.constant 0 : i32
    return %arg0, %c0_i32 : i32, i32
  }
  func.func @transform_5(%arg0: i32) -> (i32, i32) {
    %c0_i32 = arith.constant 0 : i32
    %c0_i32_0 = arith.constant 0 : i32
    return %arg0, %c0_i32 : i32, i32
  }
  func.func @transform_6(%arg0: i32) -> (i32, i32) {
    %c0_i32 = arith.constant 0 : i32
    %c0_i32_0 = arith.constant 0 : i32
    return %arg0, %c0_i32 : i32, i32
  }
  func.func @transform_7(%arg0: i32) -> (i32, i32) {
    %c0_i32 = arith.constant 0 : i32
    %c0_i32_0 = arith.constant 0 : i32
    return %arg0, %c0_i32 : i32, i32
  }
  func.func @transform_8(%arg0: i32) -> (i32, i32) {
    %c0_i32 = arith.constant 0 : i32
    %c0_i32_0 = arith.constant 0 : i32
    %c0_i32_1 = arith.constant 0 : i32
    return %c0_i32, %c0_i32_0 : i32, i32
  }
  func.func @transform_9(%arg0: i32) -> (i32, i32) {
    %c0_i32 = arith.constant 0 : i32
    %c0_i32_0 = arith.constant 0 : i32
    %c0_i32_1 = arith.constant 0 : i32
    return %c0_i32, %c0_i32_0 : i32, i32
  }
  func.func @transform_10(%arg0: i32) -> (i32, i32) {
    %c0_i32 = arith.constant 0 : i32
    %c0_i32_0 = arith.constant 0 : i32
    %c0_i32_1 = arith.constant 0 : i32
    return %c0_i32, %c0_i32_0 : i32, i32
  }
  func.func @transform_11(%arg0: i32) -> (i32, i32) {
    %c0_i32 = arith.constant 0 : i32
    %c0_i32_0 = arith.constant 0 : i32
    %c0_i32_1 = arith.constant 0 : i32
    return %c0_i32, %c0_i32_0 : i32, i32
  }
  func.func @transform_12(%arg0: i32) -> (i32, i32) {
    %c0_i32 = arith.constant 0 : i32
    %c0_i32_0 = arith.constant 0 : i32
    %c0_i32_1 = arith.constant 0 : i32
    return %c0_i32, %c0_i32_0 : i32, i32
  }
  func.func @transform_13(%arg0: i32) -> (i32, i32) {
    %c0_i32 = arith.constant 0 : i32
    %c0_i32_0 = arith.constant 0 : i32
    %c0_i32_1 = arith.constant 0 : i32
    return %c0_i32, %c0_i32_0 : i32, i32
  }
  func.func @transform_14(%arg0: i32) -> (i32, i32) {
    %c0_i32 = arith.constant 0 : i32
    %c0_i32_0 = arith.constant 0 : i32
    %c0_i32_1 = arith.constant 0 : i32
    return %c0_i32, %c0_i32_0 : i32, i32
  }
  func.func @transform_15(%arg0: i32) -> (i32, i32) {
    %c0_i32 = arith.constant 0 : i32
    %c0_i32_0 = arith.constant 0 : i32
    %c0_i32_1 = arith.constant 0 : i32
    return %c0_i32, %c0_i32_0 : i32, i32
  }
  func.func @transform_16(%arg0: i32) -> (i32, i32) {
    %c0_i32 = arith.constant 0 : i32
    %c0_i32_0 = arith.constant 0 : i32
    %c0_i32_1 = arith.constant 0 : i32
    return %c0_i32, %c0_i32_0 : i32, i32
  }
  func.func @transform_17(%arg0: i32) -> (i32, i32) {
    %c0_i32 = arith.constant 0 : i32
    %c0_i32_0 = arith.constant 0 : i32
    %c0_i32_1 = arith.constant 0 : i32
    return %c0_i32, %c0_i32_0 : i32, i32
  }
  func.func @transform_18(%arg0: i32) -> (i32, i32) {
    %c0_i32 = arith.constant 0 : i32
    %c0_i32_0 = arith.constant 0 : i32
    %c0_i32_1 = arith.constant 0 : i32
    return %c0_i32, %c0_i32_0 : i32, i32
  }
  func.func @transform_19(%arg0: i32) -> (i32, i32) {
    %c0_i32 = arith.constant 0 : i32
    %c0_i32_0 = arith.constant 0 : i32
    %c0_i32_1 = arith.constant 0 : i32
    return %c0_i32, %c0_i32_0 : i32, i32
  }
  func.func @transform_20(%arg0: i32) -> (i32, i32) {
    %c0_i32 = arith.constant 0 : i32
    %c0_i32_0 = arith.constant 0 : i32
    %c0_i32_1 = arith.constant 0 : i32
    return %c0_i32, %c0_i32_0 : i32, i32
  }
  func.func @transform_21(%arg0: i32) -> (i32, i32) {
    %c0_i32 = arith.constant 0 : i32
    %c0_i32_0 = arith.constant 0 : i32
    %c0_i32_1 = arith.constant 0 : i32
    return %c0_i32, %c0_i32_0 : i32, i32
  }
  func.func @transform_22(%arg0: i32) -> (i32, i32) {
    %c0_i32 = arith.constant 0 : i32
    %c0_i32_0 = arith.constant 0 : i32
    %c0_i32_1 = arith.constant 0 : i32
    return %c0_i32, %c0_i32_0 : i32, i32
  }
  func.func @transform_23(%arg0: i32) -> (i32, i32) {
    %c0_i32 = arith.constant 0 : i32
    %c0_i32_0 = arith.constant 0 : i32
    return %arg0, %c0_i32 : i32, i32
  }
}

</mosaic_0001>

<sc_bundles>
// kernel: kernel.4.cloned.1.call-start
scs
__scs_entry_jumppad:
0x0: {  	(pc) =	sbr.rel $0x88, $3  }
0x1: {  	(tag) =	ssettag $0x0;
	lr =	simm.s32 $0x1  }
0x2: {  	[smem:$0x3F8E] =	sst lr;
	_ =	strace $0xD0000000  }
0x3: {  	_ = 	snop  }
0x4: {  	_ = 	snop  }
0x5: {  	_ = 	snop  }
0x6: {  	_ = 	snop  }
0x7: {  	_ = 	snop  }
__scs_overlays_trampoline_lowered:
0x8: {  	[smem:$0x3F9D] =	sst s0  }
0x9: {  	[smem:$0x3F9E] =	sst s1  }
0xa: {  	[smem:$0x3F9F] =	sst s2  }
0xb: {  	[smem:$0x3FA0] =	sst s3  }
0xc: {  	[smem:$0x3FA1] =	sst s4  }
0xd: {  	[smem:$0x3FA2] =	sst s5  }
0xe: {  	[smem:$0x3FA3] =	sst s6  }
0xf: {  	[smem:$0x3FA4] =	sst s7  }
0x10: {  	[smem:$0x3FA5] =	sst s8  }
0x11: {  	[smem:$0x3FA6] =	sst s9;
	s0 =	simm.s32 @!p0 $0x0  }
0x12: {  	s1 =	sld [smem:$0x3F8C];
	s0 =	simm.s32 @p0 $0x1  }
0x13: {  	[smem:$0x3FA7] =	sst s0;
	s0 =	simm.s32 @!p1 $0x0  }
0x14: {  	s2 =	sld [smem:$0x3F8B];
	s0 =	simm.s32 @p1 $0x1  }
0x15: {  	[smem:$0x3FA8] =	sst s0;
	s0 =	simm.s32 @!p2 $0x0  }
0x16: {  	s3 =	sld [smem:$0x3FDB];
	s0 =	simm.s32 @p2 $0x1  }
0x17: {  	s4 =	simm.s32 $0x1BF5;
	[smem:$0x3FAA] =	sst s0  }
0x18: {  	s0 =	sld [smem:$0x3F8D];
	_ =	swait.ge [sflag:s4], $0x0  }
0x19: {  	s7 =	sld [smem:$0x3F8E]  }
0x1a: {  	s8 =	sadd.s32 $0xFFFFE003, lr  }
0x1b: {  	s9 =	sadd.s32 $0xFFFFFEF7, lr;
	s5 =	simm.s32 $0xFFFFFFFF;
	p2 =	slt.u32 s8, $0xFFFFF086  }
0x1c: {  	p1 =	slt.u32 s9, $0xF7A;
	s5 =	simm.s32 @!p2 $0x0  }
0x1d: {  	s5 =	simm.s32 @p1 $0x1;
	p0 =	seq.s32 s7, s2  }
0x1e: {  	s7 =	smul.u32 @!p0 $0xF7A, s2;
	p2 =	seq.s32 @!p0 s5, $0x0  }
0x1f: {  	s9 =	smul.u32 $0xF7A, s1;
	s8 =	simm.s32 @!p0 $0x1BF5;
	p2 =	por !p2, p0  }
0x20: {  	[sflag:s8] =	ssyncset.s32 @!p0 $0xFFFFF086;
	s6 =	sadd.s32 @!p0 s3, s7;
	s7 =	simm.s32 @!p0 $0x108  }
0x21: {  	s3 =	sadd.s32 s3, s9;
	s6 =	sadd.s32 @!p0 $0x88, s6;
	s7 =	simm.s32 @p2 $0x1082  }
0x22: {  	[simem:s7], [sflag:s8] =	dma.local @!p0 [hbm:s6], $0xF7A  }
0x23: {  	s9 =	sor.u32 $0xD0000000, s2;
	s6 =	simm.s32 $0x108;
	_ =	swait.ge @!p0 [sflag:s8], $0x0  }
0x24: {  	s3 =	sadd.s32 $0x88, s3;
	s6 =	simm.s32 @!p1 $0x1082;
	[sflag:s4] =	ssyncset.s32 $0xFFFFF086  }
0x25: {  	[simem:s6], [sflag:s4] =	dma.local [hbm:s3], $0xF7A  }
0x26: {  	[smem:$0x3F8E] =	sst s1;
	(tag) =	ssettag s2;
	_ =	strace s9  }
0x27: {  	s1 =	sld [smem:$0x3F9E]  }
0x28: {  	s2 =	sld [smem:$0x3F9F]  }
0x29: {  	s4 =	sld [smem:$0x3FA1]  }
0x2a: {  	p0 =	seq.s32 s5, $0x0;
	s5 =	sld [smem:$0x3FA2]  }
0x2b: {  	s6 =	sld [smem:$0x3FA3]  }
0x2c: {  	s7 =	sld [smem:$0x3FA4]  }
0x2d: {  	s3 =	simm.s32 $0x108;
	s8 =	sld [smem:$0x3FA5]  }
0x2e: {  	s3 =	simm.s32 @!p0 $0x1082;
	s9 =	sld [smem:$0x3FA6]  }
0x2f: {  	lr =	sadd.s32 s0, s3;
	s0 =	sld [smem:$0x3F9D]  }
0x30: {  	s3 =	sld [smem:$0x3FA0]  }
0x31: {  	[smem:$0x3FA9] =	sst s10  }
0x32: {  	s10 =	sld [smem:$0x3FA7];
	_ =	sdelay $0x3  }
0x33: {  	p0 =	seq.s32 s10, $0x1;
	s10 =	sld [smem:$0x3FA9];
	_ =	sdelay $0x3  }
0x34: {  	[smem:$0x3FA9] =	sst s10  }
0x35: {  	s10 =	sld [smem:$0x3FA8];
	_ =	sdelay $0x3  }
0x36: {  	p1 =	seq.s32 s10, $0x1;
	s10 =	sld [smem:$0x3FA9];
	_ =	sdelay $0x3  }
0x37: {  	[smem:$0x3FA9] =	sst s10  }
0x38: {  	s10 =	sld [smem:$0x3FAA]  }
0x39: {  	_ = 	snop;
	(pc) =	sbr.ind lr, $3  }
0x3a: {  	_ = 	snop  }
0x3b: {  	_ = 	snop  }
0x3c: {  	p2 =	seq.s32 s10, $0x1;
	s10 =	sld [smem:$0x3FA9]  }
0x3d: {  	_ =	shalt  }
0x3e: {  	_ =	shalt  }
0x3f: {  	_ =	shalt  }
0x40: {  	_ =	shalt  }
0x41: {  	_ =	shalt  }
0x42: {  	_ =	shalt  }
0x43: {  	_ =	shalt  }
0x44: {  	_ =	shalt  }
0x45: {  	_ =	shalt  }
0x46: {  	_ =	shalt  }
0x47: {  	_ =	shalt  }
0x48: {  	_ =	shalt  }
0x49: {  	_ =	shalt  }
0x4a: {  	_ =	shalt  }
0x4b: {  	_ =	shalt  }
0x4c: {  	_ =	shalt  }
0x4d: {  	_ =	shalt  }
0x4e: {  	_ =	shalt  }
0x4f: {  	_ =	shalt  }
0x50: {  	_ =	shalt  }
0x51: {  	_ =	shalt  }
0x52: {  	_ =	shalt  }
0x53: {  	_ =	shalt  }
0x54: {  	_ =	shalt  }
0x55: {  	_ =	shalt  }
0x56: {  	_ =	shalt  }
0x57: {  	_ =	shalt  }
0x58: {  	_ =	shalt  }
0x59: {  	_ =	shalt  }
0x5a: {  	_ =	shalt  }
0x5b: {  	_ =	shalt  }
0x5c: {  	_ =	shalt  }
0x5d: {  	_ =	shalt  }
0x5e: {  	_ =	shalt  }
0x5f: {  	_ =	shalt  }
0x60: {  	_ =	shalt  }
0x61: {  	_ =	shalt  }
0x62: {  	_ =	shalt  }
0x63: {  	_ =	shalt  }
0x64: {  	_ =	shalt  }
0x65: {  	_ =	shalt  }
0x66: {  	_ =	shalt  }
0x67: {  	_ =	shalt  }
0x68: {  	_ =	shalt  }
0x69: {  	_ =	shalt  }
0x6a: {  	_ =	shalt  }
0x6b: {  	_ =	shalt  }
0x6c: {  	_ =	shalt  }
0x6d: {  	_ =	shalt  }
0x6e: {  	_ =	shalt  }
0x6f: {  	_ =	shalt  }
0x70: {  	_ =	shalt  }
0x71: {  	_ =	shalt  }
0x72: {  	_ =	shalt  }
0x73: {  	_ =	shalt  }
0x74: {  	_ =	shalt  }
0x75: {  	_ =	shalt  }
0x76: {  	_ =	shalt  }
0x77: {  	_ =	shalt  }
0x78: {  	_ =	shalt  }
0x79: {  	_ =	shalt  }
0x7a: {  	_ =	shalt  }
0x7b: {  	_ =	shalt  }
0x7c: {  	_ =	shalt  }
0x7d: {  	_ =	shalt  }
0x7e: {  	_ =	shalt  }
0x7f: {  	_ =	shalt  }
0x80: {  	_ =	shalt  }
0x81: {  	_ =	shalt  }
0x82: {  	_ =	shalt  }
0x83: {  	_ =	shalt  }
0x84: {  	_ =	shalt  }
0x85: {  	_ =	shalt  }
0x86: {  	_ =	shalt  }
0x87: {  	_ =	shalt  }
.Lfunc_end0:
.L_simem_size_0:
called_computation_lowered:
.L_overlay_start_0:
0x88: {  	s2 =	sld [smem:$0x3FD9]  }
0x89: {  	s3 =	sld [smem:$0x3FFE];
	_ =	sdelay $0x1  }
0x8a: {  	s1 =	srdreg.scid  }
0x8b: {  	s0 =	sand.u32 $0x1, s1  }
0x8c: {  	s17 =	sshll.u32 s0, $0xA;
	s2 =	sadd.s32 s3, s2  }
0x8d: {  	s2 =	sadd.s32 s2, s17  }
0x8e: {  	[smem:$0x3FB5] =	sst s2  }
0x8f: {  	_ = 	snop  }
0x90: {  	s2 =	sld [smem:$0x3FD0];
	(tm) =	ssettm $0x1  }
0x91: {  	s18 =	sld [smem:$0x3FFB];
	_ =	sdelay $0x3  }
0x92: {  	_ =	strace s18  }
0x93: {  	s3 =	sld [smem:$0x3FFC];
	_ =	sdelay $0x3  }
0x94: {  	_ =	strace s3  }
0x95: {  	s3 =	sld [smem:$0x3FFD];
	_ =	sdelay $0x3  }
0x96: {  	_ =	strace s3  }
0x97: {  	_ =	strace $0x8FFFFFFF  }
0x98: {  	s19 =	sld [smem:$0x3FDB];
	_ =	sdelay $0x1  }
0x99: {  	s4 =	simm.s32 $_scs_section_size  }
0x9a: {  	s5 =	simm.s32 $_size__tile_overlayer_lowered;
	s6 =	simm.s32 $_tile_overlayer_lowered  }
0x9b: {  	s22 =	simm.s32 $0x1BFF;
	s21 =	sshll.u32 s6, $0x1;
	s3 =	sadd.s32 s4, s19  }
0x9c: {  	s7 =	simm.s32 $0x0;
	s20 =	sshll.u32 s5, $0x1;
	s5 =	sadd.s32 s21, s3  }
0x9d: {  	[timem:s7], [sflag:s22] =	dma.local [hbm:s5], s20  }
0x9e: {  	_ =	swait.ge [sflag:s22], s20  }
0x9f: {  	s4 =	ssub.s32 $0x0, s20;
	[sflag:s22] =	ssyncset.done $0x0  }
0xa0: {  	[sflag:s22] =	ssyncadd.s32 s4;
	_ =	sdelay $0x1  }
0xa1: {  	s23 =	simm.s32 $0x1B8B  }
0xa2: {  	_ =	swait.ge [sflag:s23], $0x1  }
0xa3: {  	[sflag:s23] =	ssyncset.done $0x0  }
0xa4: {  	s25 =	simm.s32 $0x1B8E;
	s24 =	sld [smem:$0x3FFE];
	[sflag:s23] =	ssyncadd.s32 $0xFFFFFFFF  }
0xa5: {  	s26 =	simm.s32 $execute0_lowered;
	[smem:$0x3FD2] =	sst s25  }
0xa6: {  	s5 =	sshll.u32 s26, $0x1;
	_ =	strace $0x80000046;
	[dreg:$0x1] =	wrdreg $0xFFFFFFFF  }
0xa7: {  	s28 =	simm.s32 $_size_execute0_lowered;
	s3 =	sadd.s32 s3, s5;
	[dreg:$0x0] =	wrdreg $0x0  }
0xa8: {  	s5 =	sshll.u32 s28, $0x1;
	[dreg:$0x2] =	wrdreg s3  }
0xa9: {  	[dreg:$0x3] =	wrdreg s5  }
0xaa: {  	[dreg:$0x4] =	wrdreg $0xC0  }
0xab: {  	_ =	task [dreg:s7], $0x5FFFF  }
0xac: {  	[dreg:$0x1] =	wrdreg $0xFFFFFFFF  }
0xad: {  	[dreg:$0x0] =	wrdreg $0x60  }
0xae: {  	[dreg:$0x2] =	wrdreg s24  }
0xaf: {  	[dreg:$0x3] =	wrdreg s2  }
0xb0: {  	[dreg:$0x4] =	wrdreg $0x9  }
0xb1: {  	_ =	task.clear_ibuf [dreg:s7], $0x5FFFF;
	_ =	strace $0x90000046  }
0xb2: {  	s29 =	simm.s32 $0x9;
	_ =	strace $0x80000048  }
0xb3: {  	_ =	swait.ge [sflag:s29], $0x1  }
0xb4: {  	[sflag:s29] =	ssyncadd.s32 $0xFFFFFFFF  }
0xb5: {  	_ =	strace $0x90000048  }
0xb6: {  	_ =	sfence  }
0xb7: {  	s30 =	sld [smem:$0x0];
	_ =	sdelay $0x2  }
0xb8: {  	s31 =	sshll.u32 s1, $0xD;
	s1 =	sshrl.u32 s1, $0x2  }
0xb9: {  	s3 =	sand.u32 $0x4000, s31;
	s1 =	sadd.s32 s1, s30  }
0xba: {  	s0 =	sor.u32 s3, s0;
	s1 =	sshll.u32 s1, $0x11  }
0xbb: {  	s0 =	sor.u32 s1, s0  }
0xbc: {  	s0 =	sadd.s32 $0x8F2B, s0  }
0xbd: {  	[sflag:s0] =	ssyncadd.remote.s32 $0x1  }
0xbe: {  	_ =	sfence.sel $0xFFFF  }
0xbf: {  	[dreg:$0x0] =	wrdreg $0xFFFFFFFF;
	(pc) =	sbr.abs _section_cstart, $3  }
0xc0: {  	[dreg:$0x1] =	wrdreg $0xFFFFFFFF  }
0xc1: {  	_ =	task.clear_ibuf [dreg:s7], $0x2FFFF;
	_ =	strace $0x9FFFFFFF  }
0xc2: {  	(tm) =	ssettm $0x7FFFFFFF  }
0xc3: {  	_ =	shalt  }
tec
execute0_lowered:
.L_overlay_start_1:
0x0: {  	(tag) =	ssettag $0x1  }
0x1: {  	s1 =	srdreg.scid  }
0x2: {  	s15 =	rddreg [dreg:$0x0];
	s0 =	stileid.u32;
	s17 =	sand.u32 $0x1, s1  }
0x3: {  	s3 =	rddreg [dreg:$0x1];
	s4 =	sshll.u32 s0, $0xA;
	s5 =	sshll.u32 s17, $0x9  }
0x4: {  	s2 =	simm.s32 $0x0;
	s1 =	rddreg [dreg:$0x2];
	s14 =	sor.u32 s5, s4  }
0x5: {  	[smem:$0x7FF] =	sst s2;
	s5 =	sshrl.u32 s14, $0x3  }
0x6: {  	_ =	strace $0x80000047;
	s4 =	sadd.s32 s3, s5;
	s3 =	simm.s32 $0x3  }
0x7: {  	[tilespmem:s2], [sflag:$0x3] =	stream.linear.gather [hbm4b:s4+s2], $0x200, $0x38;
	[tilespmem:$0x10400] =	vst v63  }
0x8: {  	_ =	swait.ge [sflag:s3], $0x200  }
0x9: {  	s5 =	sadd.s32 s5, s15;
	[sflag:s3] =	ssyncset.done $0x0  }
0xa: {  	s6 =	simm.s32 $0x200;
	s5 =	sadd.s32 $0x2800, s5;
	[sflag:s3] =	ssyncadd.s32 $0xFFFFFE00  }
0xb: {  	[tilespmem:s6], [sflag:$0x3] =	stream.linear.gather [hbm4b:s5+s2], $0x200, $0x38;
	[tilespmem:$0x10400] =	vst v63  }
0xc: {  	_ =	swait.ge [sflag:s3], $0x200  }
0xd: {  	s8 =	simm.s32 $0x100;
	[sflag:s3] =	ssyncset.done $0x0  }
0xe: {  	s9 =	simm.s32 $0x400;
	s7 =	sadd.s32 $0x7A3A00, s15;
	[sflag:s3] =	ssyncadd.s32 $0xFFFFFE00  }
0xf: {  	[tilespmem:s9], [sflag:$0x1] =	stream.indirect.gather [hbm4b:s7+s8], $0x80, s2, s8, $0xb8;
	[tilespmem:$0x10400] =	vst v63  }
0x10: {  	s11 =	simm.s32 $0x8400;
	s12 =	simm.s32 $0x1;
	s10 =	sadd.s32 $0x897E00, s15  }
0x11: {  	[tilespmem:s11], [sflag:$0x2] =	stream.indirect.gather [hbm4b:s10+s8], $0x80, s6, s8, $0xb8;
	[tilespmem:$0x10400] =	vst v63  }
0x12: {  	_ =	swait.ge [sflag:s12], $0x8000  }
0x13: {  	[sflag:s12] =	ssyncset.done $0x0  }
0x14: {  	s13 =	simm.s32 $0x2;
	[sflag:s12] =	ssyncadd.s32 $0xFFFF8000  }
0x15: {  	_ =	swait.ge [sflag:s13], $0x8000  }
0x16: {  	s18 =	sadd.s32 $0x3000, s15;
	s19 =	sshll.u32 s14, $0x4;
	[sflag:s13] =	ssyncset.done $0x0  }
0x17: {  	s14 =	sadd.s32 s18, s19;
	[sflag:s13] =	ssyncadd.s32 $0xFFFF8000  }
0x18: {  	[hbm4b:s14+s2] =	stream.linear.scatter [tilespmem:s9], [sflag:$0x3], $0x8000, $0x38;
	[tilespmem:$0x10400] =	vst v63  }
0x19: {  	_ =	swait.ge [sflag:s3], $0x8000  }
0x1a: {  	s20 =	sadd.s32 $0x43000, s15;
	[sflag:s3] =	ssyncset.done $0x0  }
0x1b: {  	s15 =	sadd.s32 s20, s19;
	[sflag:s3] =	ssyncadd.s32 $0xFFFF8000  }
0x1c: {  	[hbm4b:s15+s2] =	stream.linear.scatter [tilespmem:s11], [sflag:$0x3], $0x8000, $0x38;
	[tilespmem:$0x10400] =	vst v63  }
0x1d: {  	_ =	swait.ge [sflag:s3], $0x8000  }
0x1e: {  	[sflag:s3] =	ssyncset.done $0x0  }
0x1f: {  	[sflag:s3] =	ssyncadd.s32 $0xFFFF8000  }
0x20: {  	[tilespmem:s9], [sflag:$0x1] =	stream.indirect.gather [hbm4b:s7+s8], $0x80, s8, s8, $0xb8;
	[tilespmem:$0x10400] =	vst v63  }
0x21: {  	s16 =	simm.s32 $0x300  }
0x22: {  	[tilespmem:s11], [sflag:$0x2] =	stream.indirect.gather [hbm4b:s10+s8], $0x80, s16, s8, $0xb8;
	[tilespmem:$0x10400] =	vst v63  }
0x23: {  	_ =	swait.ge [sflag:s12], $0x8000  }
0x24: {  	[sflag:s12] =	ssyncset.done $0x0  }
0x25: {  	s21 =	ssub.s32 $0x2, s17;
	[sflag:s12] =	ssyncadd.s32 $0xFFFF8000  }
0x26: {  	s30 =	sshrl.u32 s21, $0x1;
	_ =	swait.ge [sflag:s13], $0x8000  }
0x27: {  	s21 =	ssub.s32 s21, s30;
	s19 =	sor.u32 $0x1000, s19;
	[sflag:s13] =	ssyncset.done $0x0  }
0x28: {  	s31 =	smax.u32 s21, $0x1;
	s17 =	sadd.s32 s18, s19;
	[sflag:s13] =	ssyncadd.s32 $0xFFFF8000  }
0x29: {  	[hbm4b:s17+s2] =	stream.linear.scatter [tilespmem:s9], [sflag:$0x3], $0x8000, $0x38;
	[tilespmem:$0x10400] =	vst v63  }
0x2a: {  	p0 =	sne.s32 s31, $0x1;
	_ =	swait.ge [sflag:s3], $0x8000  }
.Ltmp0:
0x2b: {  	[sflag:s3] =	ssyncset.done $0x0;
	(pc) =	sbr.rel @!p0 .LBB2_2-.Ltmp0, $4  }
0x2c: {  	s18 =	sadd.s32 s20, s19;
	[sflag:s3] =	ssyncadd.s32 $0xFFFF8000  }
0x2d: {  	[hbm4b:s18+s2] =	stream.linear.scatter [tilespmem:s11], [sflag:$0x3], $0x8000, $0x38;
	[tilespmem:$0x10400] =	vst v63  }
0x2e: {  	_ =	swait.ge [sflag:s3], $0x8000  }
0x2f: {  	s19 =	sadd.s32 $0xFFFFFFFF, s31;
	[sflag:s3] =	ssyncset.done $0x0  }
.LBB2_1:
0x30: {  	p0 =	sne.s32 s19, $0x1;
	s19 =	sadd.s32 $0xFFFFFFFF, s19;
	[sflag:s3] =	ssyncadd.s32 $0xFFFF8000  }
0x31: {  	[tilespmem:s2], [sflag:$0x3] =	stream.linear.gather [hbm4b:s4+s2], $0x200, $0x38;
	[tilespmem:$0x10400] =	vst v63  }
0x32: {  	_ =	swait.ge [sflag:s3], $0x200  }
0x33: {  	[sflag:s3] =	ssyncset.done $0x0  }
0x34: {  	[sflag:s3] =	ssyncadd.s32 $0xFFFFFE00  }
0x35: {  	[tilespmem:s6], [sflag:$0x3] =	stream.linear.gather [hbm4b:s5+s2], $0x200, $0x38;
	[tilespmem:$0x10400] =	vst v63  }
0x36: {  	_ =	swait.ge [sflag:s3], $0x200  }
0x37: {  	[sflag:s3] =	ssyncset.done $0x0  }
0x38: {  	[sflag:s3] =	ssyncadd.s32 $0xFFFFFE00  }
0x39: {  	[tilespmem:s9], [sflag:$0x1] =	stream.indirect.gather [hbm4b:s7+s8], $0x80, s2, s8, $0xb8;
	[tilespmem:$0x10400] =	vst v63  }
0x3a: {  	_ = 	snop  }
0x3b: {  	[tilespmem:s11], [sflag:$0x2] =	stream.indirect.gather [hbm4b:s10+s8], $0x80, s6, s8, $0xb8;
	[tilespmem:$0x10400] =	vst v63  }
0x3c: {  	_ =	swait.ge [sflag:s12], $0x8000  }
0x3d: {  	[sflag:s12] =	ssyncset.done $0x0  }
0x3e: {  	[sflag:s12] =	ssyncadd.s32 $0xFFFF8000  }
0x3f: {  	_ =	swait.ge [sflag:s13], $0x8000  }
0x40: {  	[sflag:s13] =	ssyncset.done $0x0  }
0x41: {  	[sflag:s13] =	ssyncadd.s32 $0xFFFF8000  }
0x42: {  	[hbm4b:s14+s2] =	stream.linear.scatter [tilespmem:s9], [sflag:$0x3], $0x8000, $0x38;
	[tilespmem:$0x10400] =	vst v63  }
0x43: {  	_ =	swait.ge [sflag:s3], $0x8000  }
0x44: {  	[sflag:s3] =	ssyncset.done $0x0  }
0x45: {  	[sflag:s3] =	ssyncadd.s32 $0xFFFF8000  }
0x46: {  	[hbm4b:s15+s2] =	stream.linear.scatter [tilespmem:s11], [sflag:$0x3], $0x8000, $0x38;
	[tilespmem:$0x10400] =	vst v63  }
0x47: {  	_ =	swait.ge [sflag:s3], $0x8000  }
0x48: {  	[sflag:s3] =	ssyncset.done $0x0  }
0x49: {  	[sflag:s3] =	ssyncadd.s32 $0xFFFF8000  }
0x4a: {  	[tilespmem:s9], [sflag:$0x1] =	stream.indirect.gather [hbm4b:s7+s8], $0x80, s8, s8, $0xb8;
	[tilespmem:$0x10400] =	vst v63  }
0x4b: {  	_ = 	snop  }
0x4c: {  	[tilespmem:s11], [sflag:$0x2] =	stream.indirect.gather [hbm4b:s10+s8], $0x80, s16, s8, $0xb8;
	[tilespmem:$0x10400] =	vst v63  }
0x4d: {  	_ =	swait.ge [sflag:s12], $0x8000  }
0x4e: {  	[sflag:s12] =	ssyncset.done $0x0  }
0x4f: {  	[sflag:s12] =	ssyncadd.s32 $0xFFFF8000  }
0x50: {  	_ =	swait.ge [sflag:s13], $0x8000  }
0x51: {  	[sflag:s13] =	ssyncset.done $0x0  }
0x52: {  	[sflag:s13] =	ssyncadd.s32 $0xFFFF8000  }
0x53: {  	[hbm4b:s17+s2] =	stream.linear.scatter [tilespmem:s9], [sflag:$0x3], $0x8000, $0x38;
	[tilespmem:$0x10400] =	vst v63  }
0x54: {  	_ =	swait.ge [sflag:s3], $0x8000  }
.Ltmp1:
0x55: {  	[sflag:s3] =	ssyncset.done $0x0;
	(pc) =	sbr.rel @p0 .LBB2_1-.Ltmp1, $4  }
0x56: {  	[sflag:s3] =	ssyncadd.s32 $0xFFFF8000  }
0x57: {  	[hbm4b:s18+s2] =	stream.linear.scatter [tilespmem:s11], [sflag:$0x3], $0x8000, $0x38;
	[tilespmem:$0x10400] =	vst v63  }
0x58: {  	_ =	swait.ge [sflag:s3], $0x8000  }
0x59: {  	[sflag:s3] =	ssyncset.done $0x0  }
.LBB2_2:
0x5a: {  	[sflag:s3] =	ssyncadd.s32 $0xFFFF8000  }
0x5b: {  	_ =	sfence.sel $0x180000  }
0x5c: {  	[bflag:$0x0] =	sbarrier.arrive $0xFFFF  }
0x5d: {  	p0 =	sne.s32 s0, $0x0;
	_ =	strace $0x90000047  }
0x5e: {  	s0 =	sadd.s32 @!p0 $0x100000, s1;
	[bflag:$0x2] =	sbarrier.arrive $0xFFFF  }
0x5f: {  	[sflag:s0] =	ssyncadd.tile.s32 @!p0 $0x1;
	_ =	shalt  }
.Lfunc_end2:
_tile_overlayer_lowered:
.L_overlay_start_2:
0x60: {  	(tag) =	ssettag $0x2  }
0x61: {  	s0 =	rddreg [dreg:$0x0];
	s2 =	stileid.u32  }
0x62: {  	s1 =	rddreg [dreg:$0x1];
	p0 =	sne.s32 s2, $0x0  }
0x63: {  	s3 =	rddreg [dreg:$0x2];
	[bflag:$0x3] =	sbarrier.arrive $0xFFFF;
	s2 =	simm.s32 @!p0 $0x1C03  }
0x64: {  	[timem:s3], [sflag:s2] =	dma.local @!p0 [hbm:s0], s1  }
0x65: {  	s0 =	simm.s32 @!p0 $0x3  }
0x66: {  	_ =	swait.ge @!p0 [sflag:s0], s1  }
0x67: {  	s1 =	ssub.s32 @!p0 $0x0, s1;
	[sflag:s0] =	ssyncset.done @!p0 $0x0  }
0x68: {  	[sflag:s0] =	ssyncadd.s32 @!p0 s1  }
0x69: {  	[bflag:$0x3] =	sbarrier.arrive $0xFFFF  }
0x6a: {  	_ =	shalt  }

</sc_bundles>
